<compile_context>
chip_gen: v7x
topology: tpu7x:2x2x1
jax: 0.10.2.dev20260603
libtpu: 0.0.44.dev20260713+nightly
codegen_flags: <defaults>
</compile_context>

<pallas_src>
import functools

import jax
import jax.numpy as jnp
from jax import lax
from jax.experimental import pallas as pl
from jax.experimental.pallas import tpu as pltpu
from jax.experimental.pallas import tpu_sc as plsc

SEQ_LEN = 200
D_MODEL = 128
BATCH = 4096
NC = 2
BB = 32
NB = BATCH // BB
NSEM = 8


def _sc_gather_body(table_hbm, idx_hbm, emb_hbm, idx_v, rows_v, gsem):
    wid = lax.axis_index("s") * NC + lax.axis_index("c")

    @pl.when(wid == 0)
    def _():
        pltpu.sync_copy(idx_hbm, idx_v)
        pltpu.make_async_copy(
            table_hbm.at[idx_v.at[pl.ds(0, 128)]], rows_v.at[pl.ds(0, 128)], gsem
        ).start()
        pltpu.make_async_copy(
            table_hbm.at[idx_v.at[pl.ds(128, 72)]], rows_v.at[pl.ds(128, 72)], gsem
        ).start()
        pltpu.make_async_copy(
            table_hbm.at[idx_v.at[pl.ds(0, 128)]], rows_v.at[pl.ds(0, 128)], gsem
        ).wait()
        pltpu.make_async_copy(
            table_hbm.at[idx_v.at[pl.ds(128, 72)]], rows_v.at[pl.ds(128, 72)], gsem
        ).wait()
        pltpu.sync_copy(rows_v, emb_hbm)


def _tc_bcast_body(emb_ref, out_ref, scratch, sems):
    scratch[...] = jnp.broadcast_to(emb_ref[...][None], (BB, SEQ_LEN, D_MODEL))

    def _start(k, c):
        pltpu.make_async_copy(
            scratch, out_ref.at[pl.ds(k * BB, BB)], sems.at[k % NSEM]
        ).start()
        return c

    lax.fori_loop(0, NB, _start, None)

    def _wait(k, c):
        pltpu.make_async_copy(
            scratch, out_ref.at[pl.ds(k * BB, BB)], sems.at[k % NSEM]
        ).wait()
        return c

    lax.fori_loop(0, NB, _wait, None)


@jax.jit
def _run(pos_embed, positions):
    idx = positions.astype(jnp.int32)
    sc_gather = pl.kernel(
        _sc_gather_body,
        out_type=jax.ShapeDtypeStruct((SEQ_LEN, D_MODEL), jnp.float32),
        mesh=plsc.VectorSubcoreMesh(core_axis_name="c", subcore_axis_name="s"),
        scratch_types=[
            pltpu.VMEM((SEQ_LEN,), jnp.int32),
            pltpu.VMEM((SEQ_LEN, D_MODEL), jnp.float32),
            pltpu.SemaphoreType.DMA,
        ],
    )
    emb = sc_gather(pos_embed, idx)
    return pl.pallas_call(
        _tc_bcast_body,
        grid=(1,),
        in_specs=[
            pl.BlockSpec((SEQ_LEN, D_MODEL), lambda i: (0, 0)),
        ],
        out_specs=pl.BlockSpec(memory_space=pl.ANY),
        out_shape=jax.ShapeDtypeStruct((BATCH, SEQ_LEN, D_MODEL), jnp.float32),
        scratch_shapes=[
            pltpu.VMEM((BB, SEQ_LEN, D_MODEL), jnp.float32),
            pltpu.SemaphoreType.DMA((NSEM,)),
        ],
        compiler_params=pltpu.CompilerParams(
            dimension_semantics=("arbitrary",),
        ),
    )(emb)


def kernel(batch_size, pos_embed, positions):
    return _run(pos_embed, positions)

# --- scband reference (transcript-rebuilt; emitter-appended) ---
"""Pipeline reference for scband-temporal-positional-encoding-85375359910086 (READ-ONLY COPY).

The authoritative reference and input builder live on the scoring server;
editing this copy changes nothing except your own understanding.
"""

import jax, jax.numpy as jnp
import numpy as np

SEQ_LEN = 200
D_MODEL = 128
BATCH_SIZE = 4096

def setup_inputs(seed: int = 0) -> dict:
    key = jax.random.key(seed)
    k1, _ = jax.random.split(key)
    pos_embed = jax.random.normal(k1, (SEQ_LEN, D_MODEL), dtype=jnp.float32) * 0.02
    positions = jnp.arange(SEQ_LEN, dtype=jnp.int64 if jax.config.jax_enable_x64 else jnp.int32)
    return {"batch_size": BATCH_SIZE, "pos_embed": pos_embed, "positions": positions}

def reference(batch_size, pos_embed, positions):
    # pos_embed(positions) -> gather rows; unsqueeze(0).expand(B, -1, -1) -> broadcast
    emb = jnp.take(pos_embed, positions, axis=0)  # [seq_len, d_model]
    emb = emb + (jnp.asarray(batch_size) * 0).astype(emb.dtype)
    out = jnp.broadcast_to(emb[None, :, :], (BATCH_SIZE, emb.shape[0], emb.shape[1]))
    return out

if __name__ == "__main__":
    import jax
    _d = setup_inputs()
    print(jax.jit(kernel)(*tuple(_d.values())))

</pallas_src>

<mosaic_0001>
#map = affine_map<(d0, d1) -> (0, 0)>
#map1 = affine_map<(d0, d1) -> (0)>
module attributes {stable_mosaic.version = 14 : i64} {
  func.func @_sc_gather_body(%arg0: i32, %arg1: i32, %arg2: memref<200x128xf32, #tpu.memory_space<hbm>>, %arg3: memref<200xi32, #tpu.memory_space<hbm>>, %arg4: memref<200x128xf32, #tpu.memory_space<hbm>>, %arg5: memref<200xi32, #tpu.memory_space<vmem>>, %arg6: memref<200x128xf32, #tpu.memory_space<vmem>>, %arg7: memref<!tpu.dma_semaphore, #tpu.memory_space<semaphore_mem>>) attributes {dimension_semantics = [#tpu.dimension_semantics<core_parallel>, #tpu.dimension_semantics<subcore_parallel>], iteration_bounds = array<i64: 2, 16>, scalar_prefetch = 0 : i64, scratch_operands = 3 : i64, tpu.core_type = #tpu.core_type<sc_vector_subcore>, window_params = [{transform_indices = #map}, {transform_indices = #map1}, {transform_indices = #map}]} {
    %mul3A = arith.constant 2 : i32
    %mul3A_0 = arith.muli %arg1, %mul3A : i32
    %add3A = arith.addi %mul3A_0, %arg0 : i32
    %eq3A = arith.constant 0 : i32
    %eq3A_1 = arith.cmpi eq, %add3A, %eq3A : i32
    %convert_element_type3A = arith.extui %eq3A_1 : i1 to i32
    %cond3A = arith.constant 0 : i32
    %cond3A_2 = arith.cmpi ne, %convert_element_type3A, %cond3A : i32
    scf.if %cond3A_2 {
      "tpu.region"() ({
        %run_scoped3A = tpu.sem_alloc : memref<!tpu.dma_semaphore, #tpu.memory_space<semaphore_mem>>
        tpu.enqueue_dma source(%arg3 : memref<200xi32, #tpu.memory_space<hbm>>) target(%arg5 : memref<200xi32, #tpu.memory_space<vmem>>) target_semaphore(%run_scoped3A : memref<!tpu.dma_semaphore, #tpu.memory_space<semaphore_mem>>)
        tpu.wait_dma2 semaphore(%run_scoped3A : memref<!tpu.dma_semaphore, #tpu.memory_space<semaphore_mem>>) src(%arg3 : memref<200xi32, #tpu.memory_space<hbm>>) dst(%arg5 : memref<200xi32, #tpu.memory_space<vmem>>)
        tpu.yield
      }) : () -> ()
      %dma_start3A = arith.constant 0 : i32
      %dma_start3A_3 = arith.constant 0 : i32
      %dma_start3A_4 = tpu.memref_slice %arg6[%dma_start3A, %dma_start3A_3] : memref<200x128xf32, #tpu.memory_space<vmem>> -> memref<128x128xf32, #tpu.memory_space<vmem>>
      %dma_start3A_5 = arith.constant 0 : i32
      %dma_start3A_6 = tpu.memref_slice %arg5[%dma_start3A_5] : memref<200xi32, #tpu.memory_space<vmem>> -> memref<128xi32, #tpu.memory_space<vmem>>
      %dma_start3A_7 = arith.constant 0 : i32
      %dma_start3A_8 = arith.constant 0 : i32
      %dma_start3A_9 = tpu.memref_slice %arg2[%dma_start3A_7, %dma_start3A_8] : memref<200x128xf32, #tpu.memory_space<hbm>> -> memref<200x128xf32, #tpu.memory_space<hbm>>
      tpu.enqueue_indirect_dma source(%dma_start3A_9 : memref<200x128xf32, #tpu.memory_space<hbm>>) target(%dma_start3A_4 : memref<128x128xf32, #tpu.memory_space<vmem>>) offsets(%dma_start3A_6 : memref<128xi32, #tpu.memory_space<vmem>>) semaphore(%arg7 : memref<!tpu.dma_semaphore, #tpu.memory_space<semaphore_mem>>)
      %dma_start3A_10 = arith.constant 128 : i32
      %dma_start3A_11 = arith.constant 0 : i32
      %dma_start3A_12 = tpu.memref_slice %arg6[%dma_start3A_10, %dma_start3A_11] : memref<200x128xf32, #tpu.memory_space<vmem>> -> memref<72x128xf32, #tpu.memory_space<vmem>>
      %dma_start3A_13 = arith.constant 128 : i32
      %dma_start3A_14 = tpu.memref_slice %arg5[%dma_start3A_13] : memref<200xi32, #tpu.memory_space<vmem>> -> memref<72xi32, #tpu.memory_space<vmem>>
      %dma_start3A_15 = arith.constant 0 : i32
      %dma_start3A_16 = arith.constant 0 : i32
      %dma_start3A_17 = tpu.memref_slice %arg2[%dma_start3A_15, %dma_start3A_16] : memref<200x128xf32, #tpu.memory_space<hbm>> -> memref<200x128xf32, #tpu.memory_space<hbm>>
      tpu.enqueue_indirect_dma source(%dma_start3A_17 : memref<200x128xf32, #tpu.memory_space<hbm>>) target(%dma_start3A_12 : memref<72x128xf32, #tpu.memory_space<vmem>>) offsets(%dma_start3A_14 : memref<72xi32, #tpu.memory_space<vmem>>) semaphore(%arg7 : memref<!tpu.dma_semaphore, #tpu.memory_space<semaphore_mem>>)
      %dma_wait3A = arith.constant 0 : i32
      %dma_wait3A_18 = arith.constant 0 : i32
      %dma_wait3A_19 = tpu.memref_slice %arg6[%dma_wait3A, %dma_wait3A_18] : memref<200x128xf32, #tpu.memory_space<vmem>> -> memref<128x128xf32, #tpu.memory_space<vmem>>
      %dma_wait3A_20 = arith.constant 0 : i32
      %dma_wait3A_21 = tpu.memref_slice %arg5[%dma_wait3A_20] : memref<200xi32, #tpu.memory_space<vmem>> -> memref<128xi32, #tpu.memory_space<vmem>>
      %dma_wait3A_22 = arith.constant 0 : i32
      %dma_wait3A_23 = arith.constant 0 : i32
      %dma_wait3A_24 = tpu.memref_slice %arg2[%dma_wait3A_22, %dma_wait3A_23] : memref<200x128xf32, #tpu.memory_space<hbm>> -> memref<200x128xf32, #tpu.memory_space<hbm>>
      tpu.wait_indirect_dma semaphore(%arg7 : memref<!tpu.dma_semaphore, #tpu.memory_space<semaphore_mem>>) src(%dma_wait3A_24 : memref<200x128xf32, #tpu.memory_space<hbm>>) dst(%dma_wait3A_19 : memref<128x128xf32, #tpu.memory_space<vmem>>)
      %dma_wait3A_25 = arith.constant 128 : i32
      %dma_wait3A_26 = arith.constant 0 : i32
      %dma_wait3A_27 = tpu.memref_slice %arg6[%dma_wait3A_25, %dma_wait3A_26] : memref<200x128xf32, #tpu.memory_space<vmem>> -> memref<72x128xf32, #tpu.memory_space<vmem>>
      %dma_wait3A_28 = arith.constant 128 : i32
      %dma_wait3A_29 = tpu.memref_slice %arg5[%dma_wait3A_28] : memref<200xi32, #tpu.memory_space<vmem>> -> memref<72xi32, #tpu.memory_space<vmem>>
      %dma_wait3A_30 = arith.constant 0 : i32
      %dma_wait3A_31 = arith.constant 0 : i32
      %dma_wait3A_32 = tpu.memref_slice %arg2[%dma_wait3A_30, %dma_wait3A_31] : memref<200x128xf32, #tpu.memory_space<hbm>> -> memref<200x128xf32, #tpu.memory_space<hbm>>
      tpu.wait_indirect_dma semaphore(%arg7 : memref<!tpu.dma_semaphore, #tpu.memory_space<semaphore_mem>>) src(%dma_wait3A_32 : memref<200x128xf32, #tpu.memory_space<hbm>>) dst(%dma_wait3A_27 : memref<72x128xf32, #tpu.memory_space<vmem>>)
      "tpu.region"() ({
        %run_scoped3A = tpu.sem_alloc : memref<!tpu.dma_semaphore, #tpu.memory_space<semaphore_mem>>
        tpu.enqueue_dma source(%arg6 : memref<200x128xf32, #tpu.memory_space<vmem>>) target(%arg4 : memref<200x128xf32, #tpu.memory_space<hbm>>) target_semaphore(%run_scoped3A : memref<!tpu.dma_semaphore, #tpu.memory_space<semaphore_mem>>)
        tpu.wait_dma2 semaphore(%run_scoped3A : memref<!tpu.dma_semaphore, #tpu.memory_space<semaphore_mem>>) src(%arg6 : memref<200x128xf32, #tpu.memory_space<vmem>>) dst(%arg4 : memref<200x128xf32, #tpu.memory_space<hbm>>)
        tpu.yield
      }) : () -> ()
    } else {
    }
    return
  }
}

module attributes {stable_mosaic.version = 14 : i64} {
  func.func @_tc_bcast_body(%arg0: i32, %arg1: memref<200x128xf32, #tpu.memory_space<vmem>>, %arg2: memref<4096x200x128xf32, #tpu.memory_space<any>>, %arg3: memref<32x200x128xf32, #tpu.memory_space<vmem>>, %arg4: memref<8x!tpu.dma_semaphore, #tpu.memory_space<semaphore_mem>>) attributes {dimension_semantics = [#tpu.dimension_semantics<arbitrary>], iteration_bounds = array<i64: 1>, scalar_prefetch = 0 : i64, scratch_operands = 2 : i64, tpu.core_type = #tpu.core_type<tc>, window_params = [{pipeline_mode = #tpu.pipeline_mode<synchronous>, transform_indices = @transform_0, window_bounds = array<i64: 200, 128>}, {}]} {
    %get3A = arith.constant 0 : index
    %get3A_0 = arith.constant 0 : index
    %get3A_1 = vector.load %arg1[%get3A, %get3A_0] : memref<200x128xf32, #tpu.memory_space<vmem>>, vector<200x128xf32>
    %broadcast_in_dim3A = vector.shape_cast %get3A_1 : vector<200x128xf32> to vector<1x200x128xf32>
    %broadcast_in_dim3A_2 = vector.shape_cast %broadcast_in_dim3A : vector<1x200x128xf32> to vector<1x200x128xf32>
    %broadcast_in_dim3A_3 = vector.broadcast %broadcast_in_dim3A_2 : vector<1x200x128xf32> to vector<32x200x128xf32>
    %swap3A = arith.constant 0 : index
    %swap3A_4 = arith.constant 0 : index
    %swap3A_5 = arith.constant 0 : index
    %swap3A_6 = vector.load %arg3[%swap3A, %swap3A_4, %swap3A_5] : memref<32x200x128xf32, #tpu.memory_space<vmem>>, vector<32x200x128xf32>
    tpu.vector_store %arg3[%swap3A, %swap3A_4, %swap3A_5], %broadcast_in_dim3A_3 {strides = array<i32>} : memref<32x200x128xf32, #tpu.memory_space<vmem>>, vector<32x200x128xf32>,
    %scan3A = arith.constant 0 : i32
    %scan3A_7 = arith.constant 128 : i32
    %scan3A_8 = arith.addi %scan3A, %scan3A_7 : i32
    %scan3A_9 = arith.constant 1 : i32
    scf.for %scan3A_16 = %scan3A to %scan3A_8 step %scan3A_9  : i32 {
      %mul3A = arith.constant 32 : i32
      %mul3A_17 = arith.muli %scan3A_16, %mul3A : i32
      %jit3A = arith.constant 8 : i32
      %eq3A = arith.constant 0 : i32
      %eq3A_18 = arith.cmpi eq, %jit3A, %eq3A : i32
      %jit3A_19 = arith.constant 1 : i32
      %select_n3A = arith.select %eq3A_18, %jit3A_19, %jit3A : i32
      %rem3A = arith.remsi %scan3A_16, %select_n3A : i32
      %ne3A = arith.constant 0 : i32
      %ne3A_20 = arith.cmpi ne, %rem3A, %ne3A : i32
      %lt3A = arith.constant 0 : i32
      %lt3A_21 = arith.cmpi slt, %rem3A, %lt3A : i32
      %lt3A_22 = arith.constant 0 : i32
      %lt3A_23 = arith.cmpi slt, %select_n3A, %lt3A_22 : i32
      %ne3A_24 = arith.xori %lt3A_21, %lt3A_23 : i1
      %and3A = arith.andi %ne3A_24, %ne3A_20 : i1
      %add3A = arith.addi %rem3A, %select_n3A : i32
      %select_n3A_25 = arith.select %and3A, %add3A, %rem3A : i32
      %dma_start3A = tpu.memref_slice %arg4[%select_n3A_25] : memref<8x!tpu.dma_semaphore, #tpu.memory_space<semaphore_mem>> -> memref<1x!tpu.dma_semaphore, #tpu.memory_space<semaphore_mem>>
      %dma_start3A_26 = tpu.memref_squeeze %dma_start3A : memref<1x!tpu.dma_semaphore, #tpu.memory_space<semaphore_mem>> -> memref<!tpu.dma_semaphore, #tpu.memory_space<semaphore_mem>>
      %dma_start3A_27 = arith.constant 0 : i32
      %dma_start3A_28 = arith.constant 0 : i32
      %dma_start3A_29 = tpu.memref_slice %arg2[%mul3A_17, %dma_start3A_27, %dma_start3A_28] : memref<4096x200x128xf32, #tpu.memory_space<any>> -> memref<32x200x128xf32, #tpu.memory_space<any>>
      tpu.enqueue_dma source(%arg3 : memref<32x200x128xf32, #tpu.memory_space<vmem>>) target(%dma_start3A_29 : memref<32x200x128xf32, #tpu.memory_space<any>>) target_semaphore(%dma_start3A_26 : memref<!tpu.dma_semaphore, #tpu.memory_space<semaphore_mem>>)
    }
    %scan3A_10 = arith.constant 128 : i32
    %scan3A_11 = arith.constant 0 : i32
    %scan3A_12 = arith.constant 128 : i32
    %scan3A_13 = arith.addi %scan3A_11, %scan3A_12 : i32
    %scan3A_14 = arith.constant 1 : i32
    scf.for %scan3A_16 = %scan3A_11 to %scan3A_13 step %scan3A_14  : i32 {
      %mul3A = arith.constant 32 : i32
      %mul3A_17 = arith.muli %scan3A_16, %mul3A : i32
      %jit3A = arith.constant 8 : i32
      %eq3A = arith.constant 0 : i32
      %eq3A_18 = arith.cmpi eq, %jit3A, %eq3A : i32
      %jit3A_19 = arith.constant 1 : i32
      %select_n3A = arith.select %eq3A_18, %jit3A_19, %jit3A : i32
      %rem3A = arith.remsi %scan3A_16, %select_n3A : i32
      %ne3A = arith.constant 0 : i32
      %ne3A_20 = arith.cmpi ne, %rem3A, %ne3A : i32
      %lt3A = arith.constant 0 : i32
      %lt3A_21 = arith.cmpi slt, %rem3A, %lt3A : i32
      %lt3A_22 = arith.constant 0 : i32
      %lt3A_23 = arith.cmpi slt, %select_n3A, %lt3A_22 : i32
      %ne3A_24 = arith.xori %lt3A_21, %lt3A_23 : i1
      %and3A = arith.andi %ne3A_24, %ne3A_20 : i1
      %add3A = arith.addi %rem3A, %select_n3A : i32
      %select_n3A_25 = arith.select %and3A, %add3A, %rem3A : i32
      %dma_wait3A = tpu.memref_slice %arg4[%select_n3A_25] : memref<8x!tpu.dma_semaphore, #tpu.memory_space<semaphore_mem>> -> memref<1x!tpu.dma_semaphore, #tpu.memory_space<semaphore_mem>>
      %dma_wait3A_26 = tpu.memref_squeeze %dma_wait3A : memref<1x!tpu.dma_semaphore, #tpu.memory_space<semaphore_mem>> -> memref<!tpu.dma_semaphore, #tpu.memory_space<semaphore_mem>>
      %dma_wait3A_27 = arith.constant 0 : i32
      %dma_wait3A_28 = arith.constant 0 : i32
      %dma_wait3A_29 = tpu.memref_slice %arg2[%mul3A_17, %dma_wait3A_27, %dma_wait3A_28] : memref<4096x200x128xf32, #tpu.memory_space<any>> -> memref<32x200x128xf32, #tpu.memory_space<any>>
      tpu.wait_dma2 semaphore(%dma_wait3A_26 : memref<!tpu.dma_semaphore, #tpu.memory_space<semaphore_mem>>) src(%arg3 : memref<32x200x128xf32, #tpu.memory_space<vmem>>) dst(%dma_wait3A_29 : memref<32x200x128xf32, #tpu.memory_space<any>>)
    }
    %scan3A_15 = arith.constant 128 : i32
    return
  }
  func.func @transform_0(%arg0: i32) -> (i32, i32) {
    %c0_i32 = arith.constant 0 : i32
    %c0_i32_0 = arith.constant 0 : i32
    %c0_i32_1 = arith.constant 0 : i32
    return %c0_i32, %c0_i32_0 : i32, i32
  }
}

</mosaic_0001>

<sc_bundles>
// kernel: _run.4.cloned.1.call-start
scs
__scs_entry_jumppad:
0x0: {  	(pc) =	sbr.rel $0x88, $3  }
0x1: {  	(tag) =	ssettag $0x0;
	lr =	simm.s32 $0x1  }
0x2: {  	[smem:$0x3F9F] =	sst lr;
	_ =	strace $0xD0000000  }
0x3: {  	_ = 	snop  }
0x4: {  	_ = 	snop  }
0x5: {  	_ = 	snop  }
0x6: {  	_ = 	snop  }
0x7: {  	_ = 	snop  }
__scs_overlays_trampoline_lowered:
0x8: {  	[smem:$0x3FAE] =	sst s0  }
0x9: {  	[smem:$0x3FAF] =	sst s1  }
0xa: {  	[smem:$0x3FB0] =	sst s2  }
0xb: {  	[smem:$0x3FB1] =	sst s3  }
0xc: {  	[smem:$0x3FB2] =	sst s4  }
0xd: {  	[smem:$0x3FB3] =	sst s5  }
0xe: {  	[smem:$0x3FB4] =	sst s6  }
0xf: {  	[smem:$0x3FB5] =	sst s7  }
0x10: {  	[smem:$0x3FB6] =	sst s8  }
0x11: {  	[smem:$0x3FB7] =	sst s9;
	s0 =	simm.s32 @!p0 $0x0  }
0x12: {  	s1 =	sld [smem:$0x3F9D];
	s0 =	simm.s32 @p0 $0x1  }
0x13: {  	[smem:$0x3FB8] =	sst s0;
	s0 =	simm.s32 @!p1 $0x0  }
0x14: {  	s2 =	sld [smem:$0x3F9C];
	s0 =	simm.s32 @p1 $0x1  }
0x15: {  	[smem:$0x3FB9] =	sst s0;
	s0 =	simm.s32 @!p2 $0x0  }
0x16: {  	s3 =	sld [smem:$0x3FDB];
	s0 =	simm.s32 @p2 $0x1  }
0x17: {  	s4 =	simm.s32 $0x1BF5;
	[smem:$0x3FBB] =	sst s0  }
0x18: {  	s0 =	sld [smem:$0x3F9E];
	_ =	swait.ge [sflag:s4], $0x0  }
0x19: {  	s7 =	sld [smem:$0x3F9F]  }
0x1a: {  	s8 =	sadd.s32 $0xFFFFE003, lr  }
0x1b: {  	s9 =	sadd.s32 $0xFFFFFEF7, lr;
	s5 =	simm.s32 $0xFFFFFFFF;
	p2 =	slt.u32 s8, $0xFFFFF086  }
0x1c: {  	p1 =	slt.u32 s9, $0xF7A;
	s5 =	simm.s32 @!p2 $0x0  }
0x1d: {  	s5 =	simm.s32 @p1 $0x1;
	p0 =	seq.s32 s7, s2  }
0x1e: {  	s7 =	smul.u32 @!p0 $0xF7A, s2;
	p2 =	seq.s32 @!p0 s5, $0x0  }
0x1f: {  	s9 =	smul.u32 $0xF7A, s1;
	s8 =	simm.s32 @!p0 $0x1BF5;
	p2 =	por !p2, p0  }
0x20: {  	[sflag:s8] =	ssyncset.s32 @!p0 $0xFFFFF086;
	s6 =	sadd.s32 @!p0 s3, s7;
	s7 =	simm.s32 @!p0 $0x108  }
0x21: {  	s3 =	sadd.s32 s3, s9;
	s6 =	sadd.s32 @!p0 $0x88, s6;
	s7 =	simm.s32 @p2 $0x1082  }
0x22: {  	[simem:s7], [sflag:s8] =	dma.local @!p0 [hbm:s6], $0xF7A  }
0x23: {  	s9 =	sor.u32 $0xD0000000, s2;
	s6 =	simm.s32 $0x108;
	_ =	swait.ge @!p0 [sflag:s8], $0x0  }
0x24: {  	s3 =	sadd.s32 $0x88, s3;
	s6 =	simm.s32 @!p1 $0x1082;
	[sflag:s4] =	ssyncset.s32 $0xFFFFF086  }
0x25: {  	[simem:s6], [sflag:s4] =	dma.local [hbm:s3], $0xF7A  }
0x26: {  	[smem:$0x3F9F] =	sst s1;
	(tag) =	ssettag s2;
	_ =	strace s9  }
0x27: {  	s1 =	sld [smem:$0x3FAF]  }
0x28: {  	s2 =	sld [smem:$0x3FB0]  }
0x29: {  	s4 =	sld [smem:$0x3FB2]  }
0x2a: {  	p0 =	seq.s32 s5, $0x0;
	s5 =	sld [smem:$0x3FB3]  }
0x2b: {  	s6 =	sld [smem:$0x3FB4]  }
0x2c: {  	s7 =	sld [smem:$0x3FB5]  }
0x2d: {  	s3 =	simm.s32 $0x108;
	s8 =	sld [smem:$0x3FB6]  }
0x2e: {  	s3 =	simm.s32 @!p0 $0x1082;
	s9 =	sld [smem:$0x3FB7]  }
0x2f: {  	lr =	sadd.s32 s0, s3;
	s0 =	sld [smem:$0x3FAE]  }
0x30: {  	s3 =	sld [smem:$0x3FB1]  }
0x31: {  	[smem:$0x3FBA] =	sst s10  }
0x32: {  	s10 =	sld [smem:$0x3FB8];
	_ =	sdelay $0x3  }
0x33: {  	p0 =	seq.s32 s10, $0x1;
	s10 =	sld [smem:$0x3FBA];
	_ =	sdelay $0x3  }
0x34: {  	[smem:$0x3FBA] =	sst s10  }
0x35: {  	s10 =	sld [smem:$0x3FB9];
	_ =	sdelay $0x3  }
0x36: {  	p1 =	seq.s32 s10, $0x1;
	s10 =	sld [smem:$0x3FBA];
	_ =	sdelay $0x3  }
0x37: {  	[smem:$0x3FBA] =	sst s10  }
0x38: {  	s10 =	sld [smem:$0x3FBB]  }
0x39: {  	_ = 	snop;
	(pc) =	sbr.ind lr, $3  }
0x3a: {  	_ = 	snop  }
0x3b: {  	_ = 	snop  }
0x3c: {  	p2 =	seq.s32 s10, $0x1;
	s10 =	sld [smem:$0x3FBA]  }
0x3d: {  	_ =	shalt  }
0x3e: {  	_ =	shalt  }
0x3f: {  	_ =	shalt  }
0x40: {  	_ =	shalt  }
0x41: {  	_ =	shalt  }
0x42: {  	_ =	shalt  }
0x43: {  	_ =	shalt  }
0x44: {  	_ =	shalt  }
0x45: {  	_ =	shalt  }
0x46: {  	_ =	shalt  }
0x47: {  	_ =	shalt  }
0x48: {  	_ =	shalt  }
0x49: {  	_ =	shalt  }
0x4a: {  	_ =	shalt  }
0x4b: {  	_ =	shalt  }
0x4c: {  	_ =	shalt  }
0x4d: {  	_ =	shalt  }
0x4e: {  	_ =	shalt  }
0x4f: {  	_ =	shalt  }
0x50: {  	_ =	shalt  }
0x51: {  	_ =	shalt  }
0x52: {  	_ =	shalt  }
0x53: {  	_ =	shalt  }
0x54: {  	_ =	shalt  }
0x55: {  	_ =	shalt  }
0x56: {  	_ =	shalt  }
0x57: {  	_ =	shalt  }
0x58: {  	_ =	shalt  }
0x59: {  	_ =	shalt  }
0x5a: {  	_ =	shalt  }
0x5b: {  	_ =	shalt  }
0x5c: {  	_ =	shalt  }
0x5d: {  	_ =	shalt  }
0x5e: {  	_ =	shalt  }
0x5f: {  	_ =	shalt  }
0x60: {  	_ =	shalt  }
0x61: {  	_ =	shalt  }
0x62: {  	_ =	shalt  }
0x63: {  	_ =	shalt  }
0x64: {  	_ =	shalt  }
0x65: {  	_ =	shalt  }
0x66: {  	_ =	shalt  }
0x67: {  	_ =	shalt  }
0x68: {  	_ =	shalt  }
0x69: {  	_ =	shalt  }
0x6a: {  	_ =	shalt  }
0x6b: {  	_ =	shalt  }
0x6c: {  	_ =	shalt  }
0x6d: {  	_ =	shalt  }
0x6e: {  	_ =	shalt  }
0x6f: {  	_ =	shalt  }
0x70: {  	_ =	shalt  }
0x71: {  	_ =	shalt  }
0x72: {  	_ =	shalt  }
0x73: {  	_ =	shalt  }
0x74: {  	_ =	shalt  }
0x75: {  	_ =	shalt  }
0x76: {  	_ =	shalt  }
0x77: {  	_ =	shalt  }
0x78: {  	_ =	shalt  }
0x79: {  	_ =	shalt  }
0x7a: {  	_ =	shalt  }
0x7b: {  	_ =	shalt  }
0x7c: {  	_ =	shalt  }
0x7d: {  	_ =	shalt  }
0x7e: {  	_ =	shalt  }
0x7f: {  	_ =	shalt  }
0x80: {  	_ =	shalt  }
0x81: {  	_ =	shalt  }
0x82: {  	_ =	shalt  }
0x83: {  	_ =	shalt  }
0x84: {  	_ =	shalt  }
0x85: {  	_ =	shalt  }
0x86: {  	_ =	shalt  }
0x87: {  	_ =	shalt  }
.Lfunc_end0:
.L_simem_size_0:
called_computation_lowered:
.L_overlay_start_0:
0x88: {  	s2 =	sld [smem:$0x3FD9]  }
0x89: {  	s3 =	sld [smem:$0x3FFE];
	_ =	sdelay $0x1  }
0x8a: {  	s1 =	srdreg.scid  }
0x8b: {  	s0 =	sand.u32 $0x1, s1  }
0x8c: {  	s18 =	sshll.u32 s0, $0xA;
	s2 =	sadd.s32 s3, s2  }
0x8d: {  	s2 =	sadd.s32 s2, s18  }
0x8e: {  	[smem:$0x3FC6] =	sst s2  }
0x8f: {  	_ = 	snop  }
0x90: {  	s2 =	sld [smem:$0x3FC9]  }
0x91: {  	s19 =	sld [smem:$0x3FC8]  }
0x92: {  	s4 =	sld [smem:$0x3FD0];
	(tm) =	ssettm $0x1  }
0x93: {  	s5 =	sld [smem:$0x3FFB];
	_ =	sdelay $0x3  }
0x94: {  	_ =	strace s5  }
0x95: {  	s5 =	sld [smem:$0x3FFC];
	_ =	sdelay $0x3  }
0x96: {  	_ =	strace s5  }
0x97: {  	s5 =	sld [smem:$0x3FFD];
	_ =	sdelay $0x3  }
0x98: {  	_ =	strace s5  }
0x99: {  	_ =	strace $0x8FFFFFFF  }
0x9a: {  	s20 =	sld [smem:$0x3FDB];
	_ =	sdelay $0x1  }
0x9b: {  	s6 =	simm.s32 $_scs_section_size  }
0x9c: {  	s7 =	simm.s32 $_size__tile_overlayer_lowered;
	s8 =	simm.s32 $_tile_overlayer_lowered  }
0x9d: {  	s23 =	simm.s32 $0x1BFF;
	s22 =	sshll.u32 s8, $0x1;
	s5 =	sadd.s32 s6, s20  }
0x9e: {  	s9 =	simm.s32 $0x0;
	s21 =	sshll.u32 s7, $0x1;
	s7 =	sadd.s32 s22, s5  }
0x9f: {  	[timem:s9], [sflag:s23] =	dma.local [hbm:s7], s21  }
0xa0: {  	_ =	swait.ge [sflag:s23], s21  }
0xa1: {  	s6 =	ssub.s32 $0x0, s21;
	[sflag:s23] =	ssyncset.done $0x0  }
0xa2: {  	[sflag:s23] =	ssyncadd.s32 s6;
	_ =	sdelay $0x1  }
0xa3: {  	s24 =	simm.s32 $0x1B8B  }
0xa4: {  	_ =	swait.ge [sflag:s24], $0x1  }
0xa5: {  	[sflag:s24] =	ssyncset.done $0x0  }
0xa6: {  	s25 =	simm.s32 $0x1B8E;
	[sflag:s24] =	ssyncadd.s32 $0xFFFFFFFF  }
0xa7: {  	s26 =	simm.s32 $execute0_lowered;
	[smem:$0x3FD2] =	sst s25  }
0xa8: {  	s6 =	sshll.u32 s26, $0x1;
	_ =	strace $0x80000046;
	[dreg:$0x1] =	wrdreg $0xFFFFFFFF  }
0xa9: {  	s28 =	simm.s32 $_size_execute0_lowered;
	s5 =	sadd.s32 s5, s6;
	[dreg:$0x0] =	wrdreg $0x0  }
0xaa: {  	s6 =	sshll.u32 s28, $0x1;
	[dreg:$0x2] =	wrdreg s5  }
0xab: {  	[dreg:$0x3] =	wrdreg s6  }
0xac: {  	[dreg:$0x4] =	wrdreg $0xC0  }
0xad: {  	_ =	task [dreg:s9], $0x5FFFF  }
0xae: {  	[dreg:$0x1] =	wrdreg $0xFFFFFFFF  }
0xaf: {  	[dreg:$0x0] =	wrdreg $0x60  }
0xb0: {  	[dreg:$0x2] =	wrdreg s2  }
0xb1: {  	[dreg:$0x3] =	wrdreg s19  }
0xb2: {  	[dreg:$0x4] =	wrdreg s4  }
0xb3: {  	[dreg:$0x5] =	wrdreg $0x9  }
0xb4: {  	_ =	task.clear_ibuf [dreg:s9], $0x6FFFF;
	_ =	strace $0x90000046  }
0xb5: {  	s29 =	simm.s32 $0x9;
	_ =	strace $0x80000048  }
0xb6: {  	_ =	swait.ge [sflag:s29], $0x1  }
0xb7: {  	[sflag:s29] =	ssyncadd.s32 $0xFFFFFFFF  }
0xb8: {  	_ =	strace $0x90000048  }
0xb9: {  	_ =	sfence  }
0xba: {  	s30 =	sld [smem:$0x0];
	_ =	sdelay $0x2  }
0xbb: {  	s31 =	sshll.u32 s1, $0xD;
	s1 =	sshrl.u32 s1, $0x2  }
0xbc: {  	s3 =	sand.u32 $0x4000, s31;
	s1 =	sadd.s32 s1, s30  }
0xbd: {  	s0 =	sor.u32 s3, s0;
	s1 =	sshll.u32 s1, $0x11  }
0xbe: {  	s0 =	sor.u32 s1, s0  }
0xbf: {  	s0 =	sadd.s32 $0x8F2B, s0  }
0xc0: {  	[sflag:s0] =	ssyncadd.remote.s32 $0x1  }
0xc1: {  	_ =	sfence.sel $0xFFFF  }
0xc2: {  	[dreg:$0x0] =	wrdreg $0xFFFFFFFF;
	(pc) =	sbr.abs _section_cstart, $3  }
0xc3: {  	[dreg:$0x1] =	wrdreg $0xFFFFFFFF  }
0xc4: {  	_ =	task.clear_ibuf [dreg:s9], $0x2FFFF;
	_ =	strace $0x9FFFFFFF  }
0xc5: {  	(tm) =	ssettm $0x7FFFFFFF  }
tec
execute0_lowered:
.L_overlay_start_1:
0x0: {  	(tag) =	ssettag $0x1  }
0x1: {  	s0 =	srdreg.scid  }
0x2: {  	s12 =	sand.u32 $0x1, s0;
	s0 =	stileid.u32  }
0x3: {  	s5 =	sshll.u32 s0, $0x1;
	s6 =	ssub.s32 $0x0, s12  }
0x4: {  	p0 =	sne.s32 s5, s6  }
.Ltmp0:
0x5: {  	_ = 	snop;
	(pc) =	sbr.rel @p0 .LBB2_4-.Ltmp0, $4  }
0x6: {  	s2 =	rddreg [dreg:$0x0]  }
0x7: {  	s3 =	rddreg [dreg:$0x1]  }
0x8: {  	s4 =	rddreg [dreg:$0x2]  }
0x9: {  	s1 =	rddreg [dreg:$0x3];
	_ =	strace $0x80000047  }
0xa: {  	s6 =	simm.s32 $0x0;
	s5 =	simm.s32 $0x2  }
0xb: {  	[tilespmem:s6], [sflag:$0x2] =	stream.linear.gather [hbm4b:s3+s6], $0x100, $0x38;
	[tilespmem:$0x6500] =	vst v63  }
0xc: {  	_ =	swait.ge [sflag:s5], $0x100  }
0xd: {  	s7 =	simm.s32 $0x80;
	[sflag:s5] =	ssyncset.done $0x0  }
0xe: {  	s8 =	simm.s32 $0x100;
	s9 =	simm.s32 $0x48;
	[sflag:s5] =	ssyncadd.s32 $0xFFFFFF00  }
0xf: {  	[tilespmem:s8], [sflag:$0x1] =	stream.indirect.gather [hbm4b:s2+s7], $0x80, s6, s7, $0xb8;
	[tilespmem:$0x6500] =	vst v63  }
0x10: {  	s10 =	simm.s32 $0x4100;
	s11 =	simm.s32 $0x1;
	s12 =	ssub.s32 $0x2, s12  }
0x11: {  	[tilespmem:s10], [sflag:$0x1] =	stream.indirect.gather [hbm4b:s2+s9], $0x80, s7, s9, $0xb8;
	[tilespmem:$0x6500] =	vst v63  }
0x12: {  	s13 =	sshrl.u32 s12, $0x1;
	_ =	swait.ge [sflag:s11], $0x4000  }
0x13: {  	s12 =	ssub.s32 s12, s13;
	[sflag:s11] =	ssyncset.done $0x0  }
0x14: {  	s12 =	smax.u32 s12, $0x1;
	[sflag:s11] =	ssyncadd.s32 $0xFFFFC000  }
0x15: {  	p0 =	sne.s32 s12, $0x1;
	_ =	swait.ge [sflag:s11], $0x2400  }
.Ltmp1:
0x16: {  	[sflag:s11] =	ssyncset.done $0x0;
	(pc) =	sbr.rel @!p0 .LBB2_3-.Ltmp1, $4  }
0x17: {  	[sflag:s11] =	ssyncadd.s32 $0xFFFFDC00  }
0x18: {  	[hbm4b:s4+s6] =	stream.linear.scatter [tilespmem:s8], [sflag:$0x2], $0x6400, $0x38;
	[tilespmem:$0x6500] =	vst v63  }
0x19: {  	_ =	swait.ge [sflag:s5], $0x6400  }
0x1a: {  	s12 =	sadd.s32 $0xFFFFFFFF, s12;
	[sflag:s5] =	ssyncset.done $0x0  }
.LBB2_2:
0x1b: {  	p0 =	sne.s32 s12, $0x1;
	s12 =	sadd.s32 $0xFFFFFFFF, s12;
	[sflag:s5] =	ssyncadd.s32 $0xFFFF9C00  }
0x1c: {  	[tilespmem:s6], [sflag:$0x2] =	stream.linear.gather [hbm4b:s3+s6], $0x100, $0x38;
	[tilespmem:$0x6500] =	vst v63  }
0x1d: {  	_ =	swait.ge [sflag:s5], $0x100  }
0x1e: {  	[sflag:s5] =	ssyncset.done $0x0  }
0x1f: {  	[sflag:s5] =	ssyncadd.s32 $0xFFFFFF00  }
0x20: {  	[tilespmem:s8], [sflag:$0x1] =	stream.indirect.gather [hbm4b:s2+s7], $0x80, s6, s7, $0xb8;
	[tilespmem:$0x6500] =	vst v63  }
0x21: {  	_ = 	snop  }
0x22: {  	[tilespmem:s10], [sflag:$0x1] =	stream.indirect.gather [hbm4b:s2+s9], $0x80, s7, s9, $0xb8;
	[tilespmem:$0x6500] =	vst v63  }
0x23: {  	_ =	swait.ge [sflag:s11], $0x4000  }
0x24: {  	[sflag:s11] =	ssyncset.done $0x0  }
0x25: {  	[sflag:s11] =	ssyncadd.s32 $0xFFFFC000  }
0x26: {  	_ =	swait.ge [sflag:s11], $0x2400  }
.Ltmp2:
0x27: {  	[sflag:s11] =	ssyncset.done $0x0;
	(pc) =	sbr.rel @p0 .LBB2_2-.Ltmp2, $4  }
0x28: {  	[sflag:s11] =	ssyncadd.s32 $0xFFFFDC00  }
0x29: {  	[hbm4b:s4+s6] =	stream.linear.scatter [tilespmem:s8], [sflag:$0x2], $0x6400, $0x38;
	[tilespmem:$0x6500] =	vst v63  }
0x2a: {  	_ =	swait.ge [sflag:s5], $0x6400  }
0x2b: {  	[sflag:s5] =	ssyncset.done $0x0  }
.LBB2_3:
0x2c: {  	[sflag:s5] =	ssyncadd.s32 $0xFFFF9C00  }
.LBB2_4:
0x2d: {  	_ =	sfence.sel $0x180000  }
0x2e: {  	[bflag:$0x0] =	sbarrier.arrive $0xFFFF  }
0x2f: {  	p0 =	sne.s32 s0, $0x0;
	_ =	strace $0x90000047  }
0x30: {  	s0 =	sadd.s32 @!p0 $0x100000, s1;
	[bflag:$0x2] =	sbarrier.arrive $0xFFFF  }
0x31: {  	[sflag:s0] =	ssyncadd.tile.s32 @!p0 $0x1;
	_ =	shalt  }
.Lfunc_end2:
_tile_overlayer_lowered:
.L_overlay_start_2:
0x32: {  	(tag) =	ssettag $0x2  }
0x33: {  	s0 =	rddreg [dreg:$0x0];
	s2 =	stileid.u32  }
0x34: {  	s1 =	rddreg [dreg:$0x1];
	p0 =	sne.s32 s2, $0x0  }
0x35: {  	s3 =	rddreg [dreg:$0x2];
	[bflag:$0x3] =	sbarrier.arrive $0xFFFF;
	s2 =	simm.s32 @!p0 $0x1C02  }
0x36: {  	[timem:s3], [sflag:s2] =	dma.local @!p0 [hbm:s0], s1  }
0x37: {  	s0 =	simm.s32 @!p0 $0x2  }
0x38: {  	_ =	swait.ge @!p0 [sflag:s0], s1  }
0x39: {  	s1 =	ssub.s32 @!p0 $0x0, s1;
	[sflag:s0] =	ssyncset.done @!p0 $0x0  }
0x3a: {  	[sflag:s0] =	ssyncadd.s32 @!p0 s1  }
0x3b: {  	[bflag:$0x3] =	sbarrier.arrive $0xFFFF  }
0x3c: {  	_ =	shalt  }

</sc_bundles>
